<compile_context>
chip_gen: v7x
topology: tpu7x:2x2x1
jax: 0.10.2.dev20260603
libtpu: 0.0.44.dev20260713+nightly
codegen_flags: <defaults>
</compile_context>

<pallas_src>
import functools

import jax
import jax.numpy as jnp
from jax import lax
from jax.experimental import pallas as pl
from jax.experimental.pallas import tpu as pltpu
from jax.experimental.pallas import tpu_sc as plsc

B, N, C, E = 4, 1024, 512, 4
K = 512
G = 64
SL = 8


def _score_topk_pool_kernel(x_ref, adj_ref, w1_ref, b1_ref, w2_ref, b2_ref,
                            w3_ref, b3_ref, pf_ref, pa_ref, idx_ref):
    x = x_ref[0]
    h = jnp.maximum(jnp.dot(x, w1_ref[...], preferred_element_type=jnp.float32)
                    + b1_ref[...], 0.0)
    h = jnp.maximum(jnp.dot(h, w2_ref[...], preferred_element_type=jnp.float32)
                    + b2_ref[...], 0.0)
    s = jnp.dot(h, w3_ref[...], preferred_element_type=jnp.float32) + b3_ref[...]
    s_row = s.reshape(1, N)

    ii = lax.broadcasted_iota(jnp.int32, (N, N), 0)
    jj = lax.broadcasted_iota(jnp.int32, (N, N), 1)
    beats = jnp.where((s > s_row) | ((s == s_row) & (ii < jj)), 1.0, 0.0)
    rank_row = jnp.sum(beats, axis=0, keepdims=True)
    rank_col = (N - 1.0) - jnp.sum(beats, axis=1, keepdims=True)

    r_col = lax.broadcasted_iota(jnp.int32, (K, N), 0).astype(jnp.float32)
    P = jnp.where(rank_row == r_col, 1.0, 0.0)
    r_row = lax.broadcasted_iota(jnp.int32, (N, K), 1).astype(jnp.float32)
    PT = jnp.where(rank_col == r_row, 1.0, 0.0)

    i_col = lax.broadcasted_iota(jnp.int32, (N, K), 0).astype(jnp.float32)
    idx_f = jnp.sum(PT * i_col, axis=0, keepdims=True)
    idx_ref[0] = idx_f.astype(jnp.int32)

    pf_ref[0] = jnp.dot(P, x, precision=lax.Precision.DEFAULT,
                        preferred_element_type=jnp.float32)
    ap = jnp.dot(adj_ref[0], PT, precision=lax.Precision.DEFAULT,
                 preferred_element_type=jnp.float32)
    pa_ref[0] = jnp.dot(P, ap, precision=lax.Precision.DEFAULT,
                        preferred_element_type=jnp.float32)


CH = 16
RPW = (B * K) // 32


def _sc_edge_gather(idx_hbm, eft_hbm, out_hbm, idx_v, buf_v, sem):
    wid = lax.axis_index("s") * 2 + lax.axis_index("c")
    b = wid // (K // RPW)
    rbase = (wid % (K // RPW)) * RPW
    pltpu.sync_copy(idx_hbm.at[b, pl.ds(rbase, RPW)], idx_v)
    for c in range(RPW // CH):
        pltpu.async_copy(
            eft_hbm.at[b].at[idx_v.at[pl.ds(c * CH, CH)]], buf_v, sem,
        ).wait()
        pltpu.sync_copy(buf_v, out_hbm.at[b, pl.ds(rbase + c * CH, CH)])


def _edge_gather_sc(idx, eft):
    import functools as _ft
    mesh = plsc.VectorSubcoreMesh(core_axis_name="c", subcore_axis_name="s")
    return pl.kernel(
        _sc_edge_gather,
        mesh=mesh,
        out_type=jax.ShapeDtypeStruct((B, K, E, N), jnp.float32),
        scratch_types=[
            pltpu.VMEM((RPW,), jnp.int32),
            pltpu.VMEM((CH, E, N), jnp.float32),
            pltpu.SemaphoreType.DMA,
        ],
    )(idx, eft)


@jax.jit
def kernel(x, adjacency, edge_features, superpoint_centroids,
           W1, b1, W2, b2, W3, b3):
    pf, pa, idx3 = pl.pallas_call(
        _score_topk_pool_kernel,
        grid=(B,),
        in_specs=[
            pl.BlockSpec((1, N, C), lambda b: (b, 0, 0)),
            pl.BlockSpec((1, N, N), lambda b: (b, 0, 0)),
            pl.BlockSpec((C, 64), lambda b: (0, 0)),
            pl.BlockSpec((1, 64), lambda b: (0, 0)),
            pl.BlockSpec((64, 16), lambda b: (0, 0)),
            pl.BlockSpec((1, 16), lambda b: (0, 0)),
            pl.BlockSpec((16, 1), lambda b: (0, 0)),
            pl.BlockSpec((1, 1), lambda b: (0, 0)),
        ],
        out_specs=[
            pl.BlockSpec((1, K, C), lambda b: (b, 0, 0)),
            pl.BlockSpec((1, K, K), lambda b: (b, 0, 0)),
            pl.BlockSpec((1, 1, K), lambda b: (b, 0, 0)),
        ],
        out_shape=[
            jax.ShapeDtypeStruct((B, K, C), jnp.float32),
            jax.ShapeDtypeStruct((B, K, K), jnp.float32),
            jax.ShapeDtypeStruct((B, 1, K), jnp.int32),
        ],
    )(x, adjacency, W1, b1.reshape(1, 64), W2, b2.reshape(1, 16),
      W3, b3.reshape(1, 1))

    idx = idx3.reshape(B, K)

    eft = jnp.transpose(edge_features, (0, 1, 3, 2))
    peft = _edge_gather_sc(idx, eft)
    pooled_edge_features = jnp.transpose(peft, (0, 1, 3, 2))

    return (pf, pa, pooled_edge_features)

# --- scband reference (transcript-rebuilt; emitter-appended) ---
"""Pipeline reference for scband-hierarchical-graph-pooling-64965675319804 (READ-ONLY COPY).

The authoritative reference and input builder live on the scoring server;
editing this copy changes nothing except your own understanding.
"""

import jax, jax.numpy as jnp
import numpy as np

B, N, C, E, S = 4, 1024, 512, 4, 256
RATIO = 0.5

def setup_inputs(seed: int = 0) -> dict:
    key = jax.random.key(seed)
    ks = jax.random.split(key, 12)
    x = jax.random.normal(ks[0], (B, N, C), dtype=jnp.float32)
    adjacency = jax.random.uniform(ks[1], (B, N, N), dtype=jnp.float32)
    edge_features = jax.random.normal(ks[2], (B, N, N, E), dtype=jnp.float32)
    superpoint_centroids = jax.random.normal(ks[3], (B, S, 3), dtype=jnp.float32)
    W1 = jax.random.normal(ks[4], (C, 64), dtype=jnp.float32) * (1.0 / np.sqrt(C))
    b1 = jnp.zeros((64,), dtype=jnp.float32)
    W2 = jax.random.normal(ks[5], (64, 16), dtype=jnp.float32) * (1.0 / np.sqrt(64))
    b2 = jnp.zeros((16,), dtype=jnp.float32)
    W3 = jax.random.normal(ks[6], (16, 1), dtype=jnp.float32) * (1.0 / np.sqrt(16))
    b3 = jnp.zeros((1,), dtype=jnp.float32)
    return {"x": x, "adjacency": adjacency, "edge_features": edge_features,
            "superpoint_centroids": superpoint_centroids,
            "W1": W1, "b1": b1, "W2": W2, "b2": b2, "W3": W3, "b3": b3}

def reference(x, adjacency, edge_features, superpoint_centroids, W1, b1, W2, b2, W3, b3):
    # score MLP: Linear(C,64) -> ReLU -> Linear(64,16) -> ReLU -> Linear(16,1)
    h = jax.nn.relu(x @ W1 + b1)
    h = jax.nn.relu(h @ W2 + b2)
    scores = (h @ W3 + b3)[..., 0]  # [B, N]
    num_nodes = x.shape[1]
    k = max(4, int(num_nodes * RATIO))
    k = min(k, num_nodes)
    _, idx = jax.lax.top_k(scores, k)  # [B, k], descending like torch.topk
    # pooled node features: x[b, indices]
    pooled_features = jnp.take_along_axis(x, idx[:, :, None], axis=1)  # [B, k, C]
    # pooled adjacency: adjacency[b, indices][:, indices]
    pa = jnp.take_along_axis(adjacency, idx[:, :, None], axis=1)  # [B, k, N]
    pooled_adjacency = jnp.take_along_axis(pa, idx[:, None, :], axis=2)  # [B, k, k]
    # faithful to original: edge_features[b, indices] gathers only the first node axis -> [B, k, N, E]
    pooled_edge_features = jnp.take_along_axis(edge_features, idx[:, :, None, None], axis=1)
    return (pooled_features, pooled_adjacency, pooled_edge_features)

if __name__ == "__main__":
    import jax
    _d = setup_inputs()
    print(jax.jit(kernel)(*tuple(_d.values())))

</pallas_src>

<mosaic_0001>
#map = affine_map<(d0, d1) -> (0, 0)>
#map1 = affine_map<(d0, d1) -> (0, 0, 0, 0)>
module attributes {stable_mosaic.version = 14 : i64} {
  func.func @_sc_edge_gather(%arg0: i32, %arg1: i32, %arg2: memref<4x512xi32, #tpu.memory_space<hbm>>, %arg3: memref<4x1024x4x1024xf32, #tpu.memory_space<hbm>>, %arg4: memref<4x512x4x1024xf32, #tpu.memory_space<hbm>>, %arg5: memref<64xi32, #tpu.memory_space<vmem>>, %arg6: memref<16x4x1024xf32, #tpu.memory_space<vmem>>, %arg7: memref<!tpu.dma_semaphore, #tpu.memory_space<semaphore_mem>>) attributes {dimension_semantics = [#tpu.dimension_semantics<core_parallel>, #tpu.dimension_semantics<subcore_parallel>], iteration_bounds = array<i64: 2, 16>, scalar_prefetch = 0 : i64, scratch_operands = 3 : i64, tpu.core_type = #tpu.core_type<sc_vector_subcore>, window_params = [{transform_indices = #map}, {transform_indices = #map1}, {transform_indices = #map1}]} {
    %mul3A = arith.constant 2 : i32
    %mul3A_0 = arith.muli %arg1, %mul3A : i32
    %add3A = arith.addi %mul3A_0, %arg0 : i32
    %jit3A = arith.constant 8 : i32
    %div3A = arith.divsi %add3A, %jit3A : i32
    %sign3A = arith.constant 0 : i32
    %sign3A_1 = arith.cmpi sgt, %add3A, %sign3A : i32
    %sign3A_2 = arith.extui %sign3A_1 : i1 to i32
    %sign3A_3 = arith.constant 0 : i32
    %sign3A_4 = arith.cmpi slt, %add3A, %sign3A_3 : i32
    %sign3A_5 = arith.extui %sign3A_4 : i1 to i32
    %sign3A_6 = arith.subi %sign3A_2, %sign3A_5 : i32
    %sign3A_7 = arith.constant 0 : i32
    %sign3A_8 = arith.cmpi sgt, %jit3A, %sign3A_7 : i32
    %sign3A_9 = arith.extui %sign3A_8 : i1 to i32
    %sign3A_10 = arith.constant 0 : i32
    %sign3A_11 = arith.cmpi slt, %jit3A, %sign3A_10 : i32
    %sign3A_12 = arith.extui %sign3A_11 : i1 to i32
    %sign3A_13 = arith.subi %sign3A_9, %sign3A_12 : i32
    %ne3A = arith.cmpi ne, %sign3A_6, %sign3A_13 : i32
    %rem3A = arith.remsi %add3A, %jit3A : i32
    %ne3A_14 = arith.constant 0 : i32
    %ne3A_15 = arith.cmpi ne, %rem3A, %ne3A_14 : i32
    %and3A = arith.andi %ne3A, %ne3A_15 : i1
    %sub3A = arith.constant 1 : i32
    %sub3A_16 = arith.subi %div3A, %sub3A : i32
    %select_n3A = arith.select %and3A, %sub3A_16, %div3A : i32
    %jit3A_17 = arith.constant 8 : i32
    %eq3A = arith.constant 0 : i32
    %eq3A_18 = arith.cmpi eq, %jit3A_17, %eq3A : i32
    %jit3A_19 = arith.constant 1 : i32
    %select_n3A_20 = arith.select %eq3A_18, %jit3A_19, %jit3A_17 : i32
    %rem3A_21 = arith.remsi %add3A, %select_n3A_20 : i32
    %ne3A_22 = arith.constant 0 : i32
    %ne3A_23 = arith.cmpi ne, %rem3A_21, %ne3A_22 : i32
    %lt3A = arith.constant 0 : i32
    %lt3A_24 = arith.cmpi slt, %rem3A_21, %lt3A : i32
    %lt3A_25 = arith.constant 0 : i32
    %lt3A_26 = arith.cmpi slt, %select_n3A_20, %lt3A_25 : i32
    %ne3A_27 = arith.xori %lt3A_24, %lt3A_26 : i1
    %and3A_28 = arith.andi %ne3A_27, %ne3A_23 : i1
    %add3A_29 = arith.addi %rem3A_21, %select_n3A_20 : i32
    %select_n3A_30 = arith.select %and3A_28, %add3A_29, %rem3A_21 : i32
    %mul3A_31 = arith.constant 64 : i32
    %mul3A_32 = arith.muli %select_n3A_30, %mul3A_31 : i32
    "tpu.region"() ({
      %run_scoped3A = tpu.sem_alloc : memref<!tpu.dma_semaphore, #tpu.memory_space<semaphore_mem>>
      %dma_start3A_127 = tpu.memref_slice %arg2[%select_n3A, %mul3A_32] : memref<4x512xi32, #tpu.memory_space<hbm>> -> memref<1x64xi32, #tpu.memory_space<hbm>>
      %dma_start3A_128 = tpu.memref_squeeze %dma_start3A_127 : memref<1x64xi32, #tpu.memory_space<hbm>> -> memref<64xi32, #tpu.memory_space<hbm>>
      %dma_start3A_129 = tpu.memref_slice %arg2[%select_n3A, %mul3A_32] : memref<4x512xi32, #tpu.memory_space<hbm>> -> memref<1x64xi32, #tpu.memory_space<hbm>>
      %dma_start3A_130 = tpu.memref_squeeze %dma_start3A_129 : memref<1x64xi32, #tpu.memory_space<hbm>> -> memref<64xi32, #tpu.memory_space<hbm>>
      tpu.enqueue_dma source(%dma_start3A_130 : memref<64xi32, #tpu.memory_space<hbm>>) target(%arg5 : memref<64xi32, #tpu.memory_space<vmem>>) target_semaphore(%run_scoped3A : memref<!tpu.dma_semaphore, #tpu.memory_space<semaphore_mem>>)
      %dma_wait3A_131 = tpu.memref_slice %arg2[%select_n3A, %mul3A_32] : memref<4x512xi32, #tpu.memory_space<hbm>> -> memref<1x64xi32, #tpu.memory_space<hbm>>
      %dma_wait3A_132 = tpu.memref_squeeze %dma_wait3A_131 : memref<1x64xi32, #tpu.memory_space<hbm>> -> memref<64xi32, #tpu.memory_space<hbm>>
      %dma_wait3A_133 = tpu.memref_slice %arg2[%select_n3A, %mul3A_32] : memref<4x512xi32, #tpu.memory_space<hbm>> -> memref<1x64xi32, #tpu.memory_space<hbm>>
      %dma_wait3A_134 = tpu.memref_squeeze %dma_wait3A_133 : memref<1x64xi32, #tpu.memory_space<hbm>> -> memref<64xi32, #tpu.memory_space<hbm>>
      tpu.wait_dma2 semaphore(%run_scoped3A : memref<!tpu.dma_semaphore, #tpu.memory_space<semaphore_mem>>) src(%dma_wait3A_134 : memref<64xi32, #tpu.memory_space<hbm>>) dst(%arg5 : memref<64xi32, #tpu.memory_space<vmem>>)
      tpu.yield
    }) : () -> ()
    %dma_start3A = arith.constant 0 : i32
    %dma_start3A_33 = tpu.memref_slice %arg5[%dma_start3A] : memref<64xi32, #tpu.memory_space<vmem>> -> memref<16xi32, #tpu.memory_space<vmem>>
    %dma_start3A_34 = arith.constant 0 : i32
    %dma_start3A_35 = arith.constant 0 : i32
    %dma_start3A_36 = arith.constant 0 : i32
    %dma_start3A_37 = tpu.memref_slice %arg3[%select_n3A, %dma_start3A_34, %dma_start3A_35, %dma_start3A_36] : memref<4x1024x4x1024xf32, #tpu.memory_space<hbm>> -> memref<1x1024x4x1024xf32, #tpu.memory_space<hbm>>
    %dma_start3A_38 = tpu.memref_squeeze %dma_start3A_37 : memref<1x1024x4x1024xf32, #tpu.memory_space<hbm>> -> memref<1024x4x1024xf32, #tpu.memory_space<hbm>>
    %dma_start3A_39 = arith.constant 0 : i32
    %dma_start3A_40 = arith.constant 0 : i32
    %dma_start3A_41 = arith.constant 0 : i32
    %dma_start3A_42 = tpu.memref_slice %dma_start3A_38[%dma_start3A_39, %dma_start3A_40, %dma_start3A_41] : memref<1024x4x1024xf32, #tpu.memory_space<hbm>> -> memref<1024x4x1024xf32, #tpu.memory_space<hbm>>
    tpu.enqueue_indirect_dma source(%dma_start3A_42 : memref<1024x4x1024xf32, #tpu.memory_space<hbm>>) target(%arg6 : memref<16x4x1024xf32, #tpu.memory_space<vmem>>) offsets(%dma_start3A_33 : memref<16xi32, #tpu.memory_space<vmem>>) semaphore(%arg7 : memref<!tpu.dma_semaphore, #tpu.memory_space<semaphore_mem>>)
    %dma_wait3A = arith.constant 0 : i32
    %dma_wait3A_43 = tpu.memref_slice %arg5[%dma_wait3A] : memref<64xi32, #tpu.memory_space<vmem>> -> memref<16xi32, #tpu.memory_space<vmem>>
    %dma_wait3A_44 = arith.constant 0 : i32
    %dma_wait3A_45 = arith.constant 0 : i32
    %dma_wait3A_46 = arith.constant 0 : i32
    %dma_wait3A_47 = tpu.memref_slice %arg3[%select_n3A, %dma_wait3A_44, %dma_wait3A_45, %dma_wait3A_46] : memref<4x1024x4x1024xf32, #tpu.memory_space<hbm>> -> memref<1x1024x4x1024xf32, #tpu.memory_space<hbm>>
    %dma_wait3A_48 = tpu.memref_squeeze %dma_wait3A_47 : memref<1x1024x4x1024xf32, #tpu.memory_space<hbm>> -> memref<1024x4x1024xf32, #tpu.memory_space<hbm>>
    %dma_wait3A_49 = arith.constant 0 : i32
    %dma_wait3A_50 = arith.constant 0 : i32
    %dma_wait3A_51 = arith.constant 0 : i32
    %dma_wait3A_52 = tpu.memref_slice %dma_wait3A_48[%dma_wait3A_49, %dma_wait3A_50, %dma_wait3A_51] : memref<1024x4x1024xf32, #tpu.memory_space<hbm>> -> memref<1024x4x1024xf32, #tpu.memory_space<hbm>>
    tpu.wait_indirect_dma semaphore(%arg7 : memref<!tpu.dma_semaphore, #tpu.memory_space<semaphore_mem>>) src(%dma_wait3A_52 : memref<1024x4x1024xf32, #tpu.memory_space<hbm>>) dst(%arg6 : memref<16x4x1024xf32, #tpu.memory_space<vmem>>)
    %add3A_53 = arith.constant 0 : i32
    %add3A_54 = arith.addi %mul3A_32, %add3A_53 : i32
    "tpu.region"() ({
      %run_scoped3A = tpu.sem_alloc : memref<!tpu.dma_semaphore, #tpu.memory_space<semaphore_mem>>
      %dma_start3A_127 = arith.constant 0 : i32
      %dma_start3A_128 = arith.constant 0 : i32
      %dma_start3A_129 = tpu.memref_slice %arg4[%select_n3A, %add3A_54, %dma_start3A_127, %dma_start3A_128] : memref<4x512x4x1024xf32, #tpu.memory_space<hbm>> -> memref<1x16x4x1024xf32, #tpu.memory_space<hbm>>
      %dma_start3A_130 = tpu.memref_squeeze %dma_start3A_129 : memref<1x16x4x1024xf32, #tpu.memory_space<hbm>> -> memref<16x4x1024xf32, #tpu.memory_space<hbm>>
      %dma_start3A_131 = arith.constant 0 : i32
      %dma_start3A_132 = arith.constant 0 : i32
      %dma_start3A_133 = tpu.memref_slice %arg4[%select_n3A, %add3A_54, %dma_start3A_131, %dma_start3A_132] : memref<4x512x4x1024xf32, #tpu.memory_space<hbm>> -> memref<1x16x4x1024xf32, #tpu.memory_space<hbm>>
      %dma_start3A_134 = tpu.memref_squeeze %dma_start3A_133 : memref<1x16x4x1024xf32, #tpu.memory_space<hbm>> -> memref<16x4x1024xf32, #tpu.memory_space<hbm>>
      tpu.enqueue_dma source(%arg6 : memref<16x4x1024xf32, #tpu.memory_space<vmem>>) target(%dma_start3A_134 : memref<16x4x1024xf32, #tpu.memory_space<hbm>>) target_semaphore(%run_scoped3A : memref<!tpu.dma_semaphore, #tpu.memory_space<semaphore_mem>>)
      %dma_wait3A_135 = arith.constant 0 : i32
      %dma_wait3A_136 = arith.constant 0 : i32
      %dma_wait3A_137 = tpu.memref_slice %arg4[%select_n3A, %add3A_54, %dma_wait3A_135, %dma_wait3A_136] : memref<4x512x4x1024xf32, #tpu.memory_space<hbm>> -> memref<1x16x4x1024xf32, #tpu.memory_space<hbm>>
      %dma_wait3A_138 = tpu.memref_squeeze %dma_wait3A_137 : memref<1x16x4x1024xf32, #tpu.memory_space<hbm>> -> memref<16x4x1024xf32, #tpu.memory_space<hbm>>
      %dma_wait3A_139 = arith.constant 0 : i32
      %dma_wait3A_140 = arith.constant 0 : i32
      %dma_wait3A_141 = tpu.memref_slice %arg4[%select_n3A, %add3A_54, %dma_wait3A_139, %dma_wait3A_140] : memref<4x512x4x1024xf32, #tpu.memory_space<hbm>> -> memref<1x16x4x1024xf32, #tpu.memory_space<hbm>>
      %dma_wait3A_142 = tpu.memref_squeeze %dma_wait3A_141 : memref<1x16x4x1024xf32, #tpu.memory_space<hbm>> -> memref<16x4x1024xf32, #tpu.memory_space<hbm>>
      tpu.wait_dma2 semaphore(%run_scoped3A : memref<!tpu.dma_semaphore, #tpu.memory_space<semaphore_mem>>) src(%arg6 : memref<16x4x1024xf32, #tpu.memory_space<vmem>>) dst(%dma_wait3A_142 : memref<16x4x1024xf32, #tpu.memory_space<hbm>>)
      tpu.yield
    }) : () -> ()
    %dma_start3A_55 = arith.constant 16 : i32
    %dma_start3A_56 = tpu.memref_slice %arg5[%dma_start3A_55] : memref<64xi32, #tpu.memory_space<vmem>> -> memref<16xi32, #tpu.memory_space<vmem>>
    %dma_start3A_57 = arith.constant 0 : i32
    %dma_start3A_58 = arith.constant 0 : i32
    %dma_start3A_59 = arith.constant 0 : i32
    %dma_start3A_60 = tpu.memref_slice %arg3[%select_n3A, %dma_start3A_57, %dma_start3A_58, %dma_start3A_59] : memref<4x1024x4x1024xf32, #tpu.memory_space<hbm>> -> memref<1x1024x4x1024xf32, #tpu.memory_space<hbm>>
    %dma_start3A_61 = tpu.memref_squeeze %dma_start3A_60 : memref<1x1024x4x1024xf32, #tpu.memory_space<hbm>> -> memref<1024x4x1024xf32, #tpu.memory_space<hbm>>
    %dma_start3A_62 = arith.constant 0 : i32
    %dma_start3A_63 = arith.constant 0 : i32
    %dma_start3A_64 = arith.constant 0 : i32
    %dma_start3A_65 = tpu.memref_slice %dma_start3A_61[%dma_start3A_62, %dma_start3A_63, %dma_start3A_64] : memref<1024x4x1024xf32, #tpu.memory_space<hbm>> -> memref<1024x4x1024xf32, #tpu.memory_space<hbm>>
    tpu.enqueue_indirect_dma source(%dma_start3A_65 : memref<1024x4x1024xf32, #tpu.memory_space<hbm>>) target(%arg6 : memref<16x4x1024xf32, #tpu.memory_space<vmem>>) offsets(%dma_start3A_56 : memref<16xi32, #tpu.memory_space<vmem>>) semaphore(%arg7 : memref<!tpu.dma_semaphore, #tpu.memory_space<semaphore_mem>>)
    %dma_wait3A_66 = arith.constant 16 : i32
    %dma_wait3A_67 = tpu.memref_slice %arg5[%dma_wait3A_66] : memref<64xi32, #tpu.memory_space<vmem>> -> memref<16xi32, #tpu.memory_space<vmem>>
    %dma_wait3A_68 = arith.constant 0 : i32
    %dma_wait3A_69 = arith.constant 0 : i32
    %dma_wait3A_70 = arith.constant 0 : i32
    %dma_wait3A_71 = tpu.memref_slice %arg3[%select_n3A, %dma_wait3A_68, %dma_wait3A_69, %dma_wait3A_70] : memref<4x1024x4x1024xf32, #tpu.memory_space<hbm>> -> memref<1x1024x4x1024xf32, #tpu.memory_space<hbm>>
    %dma_wait3A_72 = tpu.memref_squeeze %dma_wait3A_71 : memref<1x1024x4x1024xf32, #tpu.memory_space<hbm>> -> memref<1024x4x1024xf32, #tpu.memory_space<hbm>>
    %dma_wait3A_73 = arith.constant 0 : i32
    %dma_wait3A_74 = arith.constant 0 : i32
    %dma_wait3A_75 = arith.constant 0 : i32
    %dma_wait3A_76 = tpu.memref_slice %dma_wait3A_72[%dma_wait3A_73, %dma_wait3A_74, %dma_wait3A_75] : memref<1024x4x1024xf32, #tpu.memory_space<hbm>> -> memref<1024x4x1024xf32, #tpu.memory_space<hbm>>
    tpu.wait_indirect_dma semaphore(%arg7 : memref<!tpu.dma_semaphore, #tpu.memory_space<semaphore_mem>>) src(%dma_wait3A_76 : memref<1024x4x1024xf32, #tpu.memory_space<hbm>>) dst(%arg6 : memref<16x4x1024xf32, #tpu.memory_space<vmem>>)
    %add3A_77 = arith.constant 16 : i32
    %add3A_78 = arith.addi %mul3A_32, %add3A_77 : i32
    "tpu.region"() ({
      %run_scoped3A = tpu.sem_alloc : memref<!tpu.dma_semaphore, #tpu.memory_space<semaphore_mem>>
      %dma_start3A_127 = arith.constant 0 : i32
      %dma_start3A_128 = arith.constant 0 : i32
      %dma_start3A_129 = tpu.memref_slice %arg4[%select_n3A, %add3A_78, %dma_start3A_127, %dma_start3A_128] : memref<4x512x4x1024xf32, #tpu.memory_space<hbm>> -> memref<1x16x4x1024xf32, #tpu.memory_space<hbm>>
      %dma_start3A_130 = tpu.memref_squeeze %dma_start3A_129 : memref<1x16x4x1024xf32, #tpu.memory_space<hbm>> -> memref<16x4x1024xf32, #tpu.memory_space<hbm>>
      %dma_start3A_131 = arith.constant 0 : i32
      %dma_start3A_132 = arith.constant 0 : i32
      %dma_start3A_133 = tpu.memref_slice %arg4[%select_n3A, %add3A_78, %dma_start3A_131, %dma_start3A_132] : memref<4x512x4x1024xf32, #tpu.memory_space<hbm>> -> memref<1x16x4x1024xf32, #tpu.memory_space<hbm>>
      %dma_start3A_134 = tpu.memref_squeeze %dma_start3A_133 : memref<1x16x4x1024xf32, #tpu.memory_space<hbm>> -> memref<16x4x1024xf32, #tpu.memory_space<hbm>>
      tpu.enqueue_dma source(%arg6 : memref<16x4x1024xf32, #tpu.memory_space<vmem>>) target(%dma_start3A_134 : memref<16x4x1024xf32, #tpu.memory_space<hbm>>) target_semaphore(%run_scoped3A : memref<!tpu.dma_semaphore, #tpu.memory_space<semaphore_mem>>)
      %dma_wait3A_135 = arith.constant 0 : i32
      %dma_wait3A_136 = arith.constant 0 : i32
      %dma_wait3A_137 = tpu.memref_slice %arg4[%select_n3A, %add3A_78, %dma_wait3A_135, %dma_wait3A_136] : memref<4x512x4x1024xf32, #tpu.memory_space<hbm>> -> memref<1x16x4x1024xf32, #tpu.memory_space<hbm>>
      %dma_wait3A_138 = tpu.memref_squeeze %dma_wait3A_137 : memref<1x16x4x1024xf32, #tpu.memory_space<hbm>> -> memref<16x4x1024xf32, #tpu.memory_space<hbm>>
      %dma_wait3A_139 = arith.constant 0 : i32
      %dma_wait3A_140 = arith.constant 0 : i32
      %dma_wait3A_141 = tpu.memref_slice %arg4[%select_n3A, %add3A_78, %dma_wait3A_139, %dma_wait3A_140] : memref<4x512x4x1024xf32, #tpu.memory_space<hbm>> -> memref<1x16x4x1024xf32, #tpu.memory_space<hbm>>
      %dma_wait3A_142 = tpu.memref_squeeze %dma_wait3A_141 : memref<1x16x4x1024xf32, #tpu.memory_space<hbm>> -> memref<16x4x1024xf32, #tpu.memory_space<hbm>>
      tpu.wait_dma2 semaphore(%run_scoped3A : memref<!tpu.dma_semaphore, #tpu.memory_space<semaphore_mem>>) src(%arg6 : memref<16x4x1024xf32, #tpu.memory_space<vmem>>) dst(%dma_wait3A_142 : memref<16x4x1024xf32, #tpu.memory_space<hbm>>)
      tpu.yield
    }) : () -> ()
    %dma_start3A_79 = arith.constant 32 : i32
    %dma_start3A_80 = tpu.memref_slice %arg5[%dma_start3A_79] : memref<64xi32, #tpu.memory_space<vmem>> -> memref<16xi32, #tpu.memory_space<vmem>>
    %dma_start3A_81 = arith.constant 0 : i32
    %dma_start3A_82 = arith.constant 0 : i32
    %dma_start3A_83 = arith.constant 0 : i32
    %dma_start3A_84 = tpu.memref_slice %arg3[%select_n3A, %dma_start3A_81, %dma_start3A_82, %dma_start3A_83] : memref<4x1024x4x1024xf32, #tpu.memory_space<hbm>> -> memref<1x1024x4x1024xf32, #tpu.memory_space<hbm>>
    %dma_start3A_85 = tpu.memref_squeeze %dma_start3A_84 : memref<1x1024x4x1024xf32, #tpu.memory_space<hbm>> -> memref<1024x4x1024xf32, #tpu.memory_space<hbm>>
    %dma_start3A_86 = arith.constant 0 : i32
    %dma_start3A_87 = arith.constant 0 : i32
    %dma_start3A_88 = arith.constant 0 : i32
    %dma_start3A_89 = tpu.memref_slice %dma_start3A_85[%dma_start3A_86, %dma_start3A_87, %dma_start3A_88] : memref<1024x4x1024xf32, #tpu.memory_space<hbm>> -> memref<1024x4x1024xf32, #tpu.memory_space<hbm>>
    tpu.enqueue_indirect_dma source(%dma_start3A_89 : memref<1024x4x1024xf32, #tpu.memory_space<hbm>>) target(%arg6 : memref<16x4x1024xf32, #tpu.memory_space<vmem>>) offsets(%dma_start3A_80 : memref<16xi32, #tpu.memory_space<vmem>>) semaphore(%arg7 : memref<!tpu.dma_semaphore, #tpu.memory_space<semaphore_mem>>)
    %dma_wait3A_90 = arith.constant 32 : i32
    %dma_wait3A_91 = tpu.memref_slice %arg5[%dma_wait3A_90] : memref<64xi32, #tpu.memory_space<vmem>> -> memref<16xi32, #tpu.memory_space<vmem>>
    %dma_wait3A_92 = arith.constant 0 : i32
    %dma_wait3A_93 = arith.constant 0 : i32
    %dma_wait3A_94 = arith.constant 0 : i32
    %dma_wait3A_95 = tpu.memref_slice %arg3[%select_n3A, %dma_wait3A_92, %dma_wait3A_93, %dma_wait3A_94] : memref<4x1024x4x1024xf32, #tpu.memory_space<hbm>> -> memref<1x1024x4x1024xf32, #tpu.memory_space<hbm>>
    %dma_wait3A_96 = tpu.memref_squeeze %dma_wait3A_95 : memref<1x1024x4x1024xf32, #tpu.memory_space<hbm>> -> memref<1024x4x1024xf32, #tpu.memory_space<hbm>>
    %dma_wait3A_97 = arith.constant 0 : i32
    %dma_wait3A_98 = arith.constant 0 : i32
    %dma_wait3A_99 = arith.constant 0 : i32
    %dma_wait3A_100 = tpu.memref_slice %dma_wait3A_96[%dma_wait3A_97, %dma_wait3A_98, %dma_wait3A_99] : memref<1024x4x1024xf32, #tpu.memory_space<hbm>> -> memref<1024x4x1024xf32, #tpu.memory_space<hbm>>
    tpu.wait_indirect_dma semaphore(%arg7 : memref<!tpu.dma_semaphore, #tpu.memory_space<semaphore_mem>>) src(%dma_wait3A_100 : memref<1024x4x1024xf32, #tpu.memory_space<hbm>>) dst(%arg6 : memref<16x4x1024xf32, #tpu.memory_space<vmem>>)
    %add3A_101 = arith.constant 32 : i32
    %add3A_102 = arith.addi %mul3A_32, %add3A_101 : i32
    "tpu.region"() ({
      %run_scoped3A = tpu.sem_alloc : memref<!tpu.dma_semaphore, #tpu.memory_space<semaphore_mem>>
      %dma_start3A_127 = arith.constant 0 : i32
      %dma_start3A_128 = arith.constant 0 : i32
      %dma_start3A_129 = tpu.memref_slice %arg4[%select_n3A, %add3A_102, %dma_start3A_127, %dma_start3A_128] : memref<4x512x4x1024xf32, #tpu.memory_space<hbm>> -> memref<1x16x4x1024xf32, #tpu.memory_space<hbm>>
      %dma_start3A_130 = tpu.memref_squeeze %dma_start3A_129 : memref<1x16x4x1024xf32, #tpu.memory_space<hbm>> -> memref<16x4x1024xf32, #tpu.memory_space<hbm>>
      %dma_start3A_131 = arith.constant 0 : i32
      %dma_start3A_132 = arith.constant 0 : i32
      %dma_start3A_133 = tpu.memref_slice %arg4[%select_n3A, %add3A_102, %dma_start3A_131, %dma_start3A_132] : memref<4x512x4x1024xf32, #tpu.memory_space<hbm>> -> memref<1x16x4x1024xf32, #tpu.memory_space<hbm>>
      %dma_start3A_134 = tpu.memref_squeeze %dma_start3A_133 : memref<1x16x4x1024xf32, #tpu.memory_space<hbm>> -> memref<16x4x1024xf32, #tpu.memory_space<hbm>>
      tpu.enqueue_dma source(%arg6 : memref<16x4x1024xf32, #tpu.memory_space<vmem>>) target(%dma_start3A_134 : memref<16x4x1024xf32, #tpu.memory_space<hbm>>) target_semaphore(%run_scoped3A : memref<!tpu.dma_semaphore, #tpu.memory_space<semaphore_mem>>)
      %dma_wait3A_135 = arith.constant 0 : i32
      %dma_wait3A_136 = arith.constant 0 : i32
      %dma_wait3A_137 = tpu.memref_slice %arg4[%select_n3A, %add3A_102, %dma_wait3A_135, %dma_wait3A_136] : memref<4x512x4x1024xf32, #tpu.memory_space<hbm>> -> memref<1x16x4x1024xf32, #tpu.memory_space<hbm>>
      %dma_wait3A_138 = tpu.memref_squeeze %dma_wait3A_137 : memref<1x16x4x1024xf32, #tpu.memory_space<hbm>> -> memref<16x4x1024xf32, #tpu.memory_space<hbm>>
      %dma_wait3A_139 = arith.constant 0 : i32
      %dma_wait3A_140 = arith.constant 0 : i32
      %dma_wait3A_141 = tpu.memref_slice %arg4[%select_n3A, %add3A_102, %dma_wait3A_139, %dma_wait3A_140] : memref<4x512x4x1024xf32, #tpu.memory_space<hbm>> -> memref<1x16x4x1024xf32, #tpu.memory_space<hbm>>
      %dma_wait3A_142 = tpu.memref_squeeze %dma_wait3A_141 : memref<1x16x4x1024xf32, #tpu.memory_space<hbm>> -> memref<16x4x1024xf32, #tpu.memory_space<hbm>>
      tpu.wait_dma2 semaphore(%run_scoped3A : memref<!tpu.dma_semaphore, #tpu.memory_space<semaphore_mem>>) src(%arg6 : memref<16x4x1024xf32, #tpu.memory_space<vmem>>) dst(%dma_wait3A_142 : memref<16x4x1024xf32, #tpu.memory_space<hbm>>)
      tpu.yield
    }) : () -> ()
    %dma_start3A_103 = arith.constant 48 : i32
    %dma_start3A_104 = tpu.memref_slice %arg5[%dma_start3A_103] : memref<64xi32, #tpu.memory_space<vmem>> -> memref<16xi32, #tpu.memory_space<vmem>>
    %dma_start3A_105 = arith.constant 0 : i32
    %dma_start3A_106 = arith.constant 0 : i32
    %dma_start3A_107 = arith.constant 0 : i32
    %dma_start3A_108 = tpu.memref_slice %arg3[%select_n3A, %dma_start3A_105, %dma_start3A_106, %dma_start3A_107] : memref<4x1024x4x1024xf32, #tpu.memory_space<hbm>> -> memref<1x1024x4x1024xf32, #tpu.memory_space<hbm>>
    %dma_start3A_109 = tpu.memref_squeeze %dma_start3A_108 : memref<1x1024x4x1024xf32, #tpu.memory_space<hbm>> -> memref<1024x4x1024xf32, #tpu.memory_space<hbm>>
    %dma_start3A_110 = arith.constant 0 : i32
    %dma_start3A_111 = arith.constant 0 : i32
    %dma_start3A_112 = arith.constant 0 : i32
    %dma_start3A_113 = tpu.memref_slice %dma_start3A_109[%dma_start3A_110, %dma_start3A_111, %dma_start3A_112] : memref<1024x4x1024xf32, #tpu.memory_space<hbm>> -> memref<1024x4x1024xf32, #tpu.memory_space<hbm>>
    tpu.enqueue_indirect_dma source(%dma_start3A_113 : memref<1024x4x1024xf32, #tpu.memory_space<hbm>>) target(%arg6 : memref<16x4x1024xf32, #tpu.memory_space<vmem>>) offsets(%dma_start3A_104 : memref<16xi32, #tpu.memory_space<vmem>>) semaphore(%arg7 : memref<!tpu.dma_semaphore, #tpu.memory_space<semaphore_mem>>)
    %dma_wait3A_114 = arith.constant 48 : i32
    %dma_wait3A_115 = tpu.memref_slice %arg5[%dma_wait3A_114] : memref<64xi32, #tpu.memory_space<vmem>> -> memref<16xi32, #tpu.memory_space<vmem>>
    %dma_wait3A_116 = arith.constant 0 : i32
    %dma_wait3A_117 = arith.constant 0 : i32
    %dma_wait3A_118 = arith.constant 0 : i32
    %dma_wait3A_119 = tpu.memref_slice %arg3[%select_n3A, %dma_wait3A_116, %dma_wait3A_117, %dma_wait3A_118] : memref<4x1024x4x1024xf32, #tpu.memory_space<hbm>> -> memref<1x1024x4x1024xf32, #tpu.memory_space<hbm>>
    %dma_wait3A_120 = tpu.memref_squeeze %dma_wait3A_119 : memref<1x1024x4x1024xf32, #tpu.memory_space<hbm>> -> memref<1024x4x1024xf32, #tpu.memory_space<hbm>>
    %dma_wait3A_121 = arith.constant 0 : i32
    %dma_wait3A_122 = arith.constant 0 : i32
    %dma_wait3A_123 = arith.constant 0 : i32
    %dma_wait3A_124 = tpu.memref_slice %dma_wait3A_120[%dma_wait3A_121, %dma_wait3A_122, %dma_wait3A_123] : memref<1024x4x1024xf32, #tpu.memory_space<hbm>> -> memref<1024x4x1024xf32, #tpu.memory_space<hbm>>
    tpu.wait_indirect_dma semaphore(%arg7 : memref<!tpu.dma_semaphore, #tpu.memory_space<semaphore_mem>>) src(%dma_wait3A_124 : memref<1024x4x1024xf32, #tpu.memory_space<hbm>>) dst(%arg6 : memref<16x4x1024xf32, #tpu.memory_space<vmem>>)
    %add3A_125 = arith.constant 48 : i32
    %add3A_126 = arith.addi %mul3A_32, %add3A_125 : i32
    "tpu.region"() ({
      %run_scoped3A = tpu.sem_alloc : memref<!tpu.dma_semaphore, #tpu.memory_space<semaphore_mem>>
      %dma_start3A_127 = arith.constant 0 : i32
      %dma_start3A_128 = arith.constant 0 : i32
      %dma_start3A_129 = tpu.memref_slice %arg4[%select_n3A, %add3A_126, %dma_start3A_127, %dma_start3A_128] : memref<4x512x4x1024xf32, #tpu.memory_space<hbm>> -> memref<1x16x4x1024xf32, #tpu.memory_space<hbm>>
      %dma_start3A_130 = tpu.memref_squeeze %dma_start3A_129 : memref<1x16x4x1024xf32, #tpu.memory_space<hbm>> -> memref<16x4x1024xf32, #tpu.memory_space<hbm>>
      %dma_start3A_131 = arith.constant 0 : i32
      %dma_start3A_132 = arith.constant 0 : i32
      %dma_start3A_133 = tpu.memref_slice %arg4[%select_n3A, %add3A_126, %dma_start3A_131, %dma_start3A_132] : memref<4x512x4x1024xf32, #tpu.memory_space<hbm>> -> memref<1x16x4x1024xf32, #tpu.memory_space<hbm>>
      %dma_start3A_134 = tpu.memref_squeeze %dma_start3A_133 : memref<1x16x4x1024xf32, #tpu.memory_space<hbm>> -> memref<16x4x1024xf32, #tpu.memory_space<hbm>>
      tpu.enqueue_dma source(%arg6 : memref<16x4x1024xf32, #tpu.memory_space<vmem>>) target(%dma_start3A_134 : memref<16x4x1024xf32, #tpu.memory_space<hbm>>) target_semaphore(%run_scoped3A : memref<!tpu.dma_semaphore, #tpu.memory_space<semaphore_mem>>)
      %dma_wait3A_135 = arith.constant 0 : i32
      %dma_wait3A_136 = arith.constant 0 : i32
      %dma_wait3A_137 = tpu.memref_slice %arg4[%select_n3A, %add3A_126, %dma_wait3A_135, %dma_wait3A_136] : memref<4x512x4x1024xf32, #tpu.memory_space<hbm>> -> memref<1x16x4x1024xf32, #tpu.memory_space<hbm>>
      %dma_wait3A_138 = tpu.memref_squeeze %dma_wait3A_137 : memref<1x16x4x1024xf32, #tpu.memory_space<hbm>> -> memref<16x4x1024xf32, #tpu.memory_space<hbm>>
      %dma_wait3A_139 = arith.constant 0 : i32
      %dma_wait3A_140 = arith.constant 0 : i32
      %dma_wait3A_141 = tpu.memref_slice %arg4[%select_n3A, %add3A_126, %dma_wait3A_139, %dma_wait3A_140] : memref<4x512x4x1024xf32, #tpu.memory_space<hbm>> -> memref<1x16x4x1024xf32, #tpu.memory_space<hbm>>
      %dma_wait3A_142 = tpu.memref_squeeze %dma_wait3A_141 : memref<1x16x4x1024xf32, #tpu.memory_space<hbm>> -> memref<16x4x1024xf32, #tpu.memory_space<hbm>>
      tpu.wait_dma2 semaphore(%run_scoped3A : memref<!tpu.dma_semaphore, #tpu.memory_space<semaphore_mem>>) src(%arg6 : memref<16x4x1024xf32, #tpu.memory_space<vmem>>) dst(%dma_wait3A_142 : memref<16x4x1024xf32, #tpu.memory_space<hbm>>)
      tpu.yield
    }) : () -> ()
    return
  }
}

module attributes {stable_mosaic.version = 14 : i64} {
  func.func @_score_topk_pool_kernel(%arg0: i32, %arg1: memref<1x1024x512xf32, #tpu.memory_space<vmem>>, %arg2: memref<1x1024x1024xf32, #tpu.memory_space<vmem>>, %arg3: memref<512x64xf32, #tpu.memory_space<vmem>>, %arg4: memref<1x64xf32, #tpu.memory_space<vmem>>, %arg5: memref<64x16xf32, #tpu.memory_space<vmem>>, %arg6: memref<1x16xf32, #tpu.memory_space<vmem>>, %arg7: memref<16x1xf32, #tpu.memory_space<vmem>>, %arg8: memref<1x1xf32, #tpu.memory_space<vmem>>, %arg9: memref<1x512x512xf32, #tpu.memory_space<vmem>>, %arg10: memref<1x512x512xf32, #tpu.memory_space<vmem>>, %arg11: memref<1x1x512xi32, #tpu.memory_space<vmem>>) attributes {dimension_semantics = [#tpu.dimension_semantics<arbitrary>], iteration_bounds = array<i64: 4>, scalar_prefetch = 0 : i64, scratch_operands = 0 : i64, tpu.core_type = #tpu.core_type<tc>, window_params = [{transform_indices = @transform_0, window_bounds = array<i64: 1, 1024, 512>}, {transform_indices = @transform_1, window_bounds = array<i64: 1, 1024, 1024>}, {pipeline_mode = #tpu.pipeline_mode<synchronous>, transform_indices = @transform_2, window_bounds = array<i64: 512, 64>}, {pipeline_mode = #tpu.pipeline_mode<synchronous>, transform_indices = @transform_3, window_bounds = array<i64: 1, 64>}, {pipeline_mode = #tpu.pipeline_mode<synchronous>, transform_indices = @transform_4, window_bounds = array<i64: 64, 16>}, {pipeline_mode = #tpu.pipeline_mode<synchronous>, transform_indices = @transform_5, window_bounds = array<i64: 1, 16>}, {pipeline_mode = #tpu.pipeline_mode<synchronous>, transform_indices = @transform_6, window_bounds = array<i64: 16, 1>}, {pipeline_mode = #tpu.pipeline_mode<synchronous>, transform_indices = @transform_7, window_bounds = array<i64: 1, 1>}, {transform_indices = @transform_8, window_bounds = array<i64: 1, 512, 512>}, {transform_indices = @transform_9, window_bounds = array<i64: 1, 512, 512>}, {transform_indices = @transform_10, window_bounds = array<i64: 1, 1, 512>}]} {
    %get3A = arith.constant 0 : index
    %get3A_0 = arith.constant 0 : index
    %get3A_1 = arith.constant 0 : index
    %get3A_2 = vector.load %arg1[%get3A, %get3A_0, %get3A_1] : memref<1x1024x512xf32, #tpu.memory_space<vmem>>, vector<1x1024x512xf32>
    %get3A_3 = vector.shape_cast %get3A_2 : vector<1x1024x512xf32> to vector<1024x512xf32>
    %get3A_4 = arith.constant 0 : index
    %get3A_5 = arith.constant 0 : index
    %get3A_6 = vector.load %arg3[%get3A_4, %get3A_5] : memref<512x64xf32, #tpu.memory_space<vmem>>, vector<512x64xf32>
    %dot_general3A = arith.constant dense<0.000000e+00> : vector<1024x64xf32>
    %dot_general3A_7 = tpu.matmul %get3A_3, %get3A_6, %dot_general3A {dimension_numbers = #tpu.dot_dimension_numbers<[1], [0], [0], [1], [0, 0, 1, 1], [], []>, transpose_lhs_hint = false} : vector<1024x512xf32>, vector<512x64xf32>, vector<1024x64xf32> -> vector<1024x64xf32>
    %get3A_8 = arith.constant 0 : index
    %get3A_9 = arith.constant 0 : index
    %get3A_10 = vector.load %arg4[%get3A_8, %get3A_9] : memref<1x64xf32, #tpu.memory_space<vmem>>, vector<1x64xf32>
    %add3A = vector.broadcast %get3A_10 : vector<1x64xf32> to vector<1024x64xf32>
    %add3A_11 = arith.addf %dot_general3A_7, %add3A : vector<1024x64xf32>
    %max3A = arith.constant 0.000000e+00 : f32
    %max3A_12 = vector.broadcast %max3A : f32 to vector<1024x64xf32>
    %max3A_13 = arith.maximumf %add3A_11, %max3A_12 : vector<1024x64xf32>
    %get3A_14 = arith.constant 0 : index
    %get3A_15 = arith.constant 0 : index
    %get3A_16 = vector.load %arg5[%get3A_14, %get3A_15] : memref<64x16xf32, #tpu.memory_space<vmem>>, vector<64x16xf32>
    %dot_general3A_17 = arith.constant dense<0.000000e+00> : vector<1024x16xf32>
    %dot_general3A_18 = tpu.matmul %max3A_13, %get3A_16, %dot_general3A_17 {dimension_numbers = #tpu.dot_dimension_numbers<[1], [0], [0], [1], [0, 0, 1, 1], [], []>, transpose_lhs_hint = false} : vector<1024x64xf32>, vector<64x16xf32>, vector<1024x16xf32> -> vector<1024x16xf32>
    %get3A_19 = arith.constant 0 : index
    %get3A_20 = arith.constant 0 : index
    %get3A_21 = vector.load %arg6[%get3A_19, %get3A_20] : memref<1x16xf32, #tpu.memory_space<vmem>>, vector<1x16xf32>
    %add3A_22 = vector.broadcast %get3A_21 : vector<1x16xf32> to vector<1024x16xf32>
    %add3A_23 = arith.addf %dot_general3A_18, %add3A_22 : vector<1024x16xf32>
    %max3A_24 = arith.constant 0.000000e+00 : f32
    %max3A_25 = vector.broadcast %max3A_24 : f32 to vector<1024x16xf32>
    %max3A_26 = arith.maximumf %add3A_23, %max3A_25 : vector<1024x16xf32>
    %get3A_27 = arith.constant 0 : index
    %get3A_28 = arith.constant 0 : index
    %get3A_29 = vector.load %arg7[%get3A_27, %get3A_28] : memref<16x1xf32, #tpu.memory_space<vmem>>, vector<16x1xf32>
    %dot_general3A_30 = arith.constant dense<0.000000e+00> : vector<1024x1xf32>
    %dot_general3A_31 = tpu.matmul %max3A_26, %get3A_29, %dot_general3A_30 {dimension_numbers = #tpu.dot_dimension_numbers<[1], [0], [0], [1], [0, 0, 1, 1], [], []>, transpose_lhs_hint = false} : vector<1024x16xf32>, vector<16x1xf32>, vector<1024x1xf32> -> vector<1024x1xf32>
    %get3A_32 = arith.constant 0 : index
    %get3A_33 = arith.constant 0 : index
    %get3A_34 = vector.load %arg8[%get3A_32, %get3A_33] : memref<1x1xf32, #tpu.memory_space<vmem>>, vector<1x1xf32>
    %add3A_35 = vector.broadcast %get3A_34 : vector<1x1xf32> to vector<1024x1xf32>
    %add3A_36 = arith.addf %dot_general3A_31, %add3A_35 : vector<1024x1xf32>
    %reshape3A = vector.shape_cast %add3A_36 : vector<1024x1xf32> to vector<1x1024xf32>
    %iota3A = tpu.iota {dimensions = array<i32: 0>} : vector<1024x1024xi32>
    %iota3A_37 = tpu.iota {dimensions = array<i32: 1>} : vector<1024x1024xi32>
    %gt3A = vector.broadcast %add3A_36 : vector<1024x1xf32> to vector<1024x1024xf32>
    %gt3A_38 = vector.broadcast %reshape3A : vector<1x1024xf32> to vector<1024x1024xf32>
    %gt3A_39 = arith.cmpf ogt, %gt3A, %gt3A_38 : vector<1024x1024xf32>
    %eq3A = vector.broadcast %add3A_36 : vector<1024x1xf32> to vector<1024x1024xf32>
    %eq3A_40 = vector.broadcast %reshape3A : vector<1x1024xf32> to vector<1024x1024xf32>
    %eq3A_41 = arith.cmpf oeq, %eq3A, %eq3A_40 : vector<1024x1024xf32>
    %lt3A = arith.cmpi slt, %iota3A, %iota3A_37 : vector<1024x1024xi32>
    %and3A = arith.andi %eq3A_41, %lt3A : vector<1024x1024xi1>
    %or3A = arith.ori %gt3A_39, %and3A : vector<1024x1024xi1>
    %jit3A = arith.constant 1.000000e+00 : f32
    %jit3A_42 = arith.constant 0.000000e+00 : f32
    %broadcast_in_dim3A = vector.broadcast %jit3A : f32 to vector<1024x1024xf32>
    %broadcast_in_dim3A_43 = vector.broadcast %jit3A_42 : f32 to vector<1024x1024xf32>
    %select_n3A = arith.select %or3A, %broadcast_in_dim3A, %broadcast_in_dim3A_43 : vector<1024x1024xi1>, vector<1024x1024xf32>
    %reduce_sum3A = arith.constant dense<0.000000e+00> : vector<1024xf32>
    %reduce_sum3A_44 = vector.multi_reduction <add>, %select_n3A, %reduce_sum3A [0] : vector<1024x1024xf32> to vector<1024xf32>
    %broadcast_in_dim3A_45 = vector.shape_cast %reduce_sum3A_44 : vector<1024xf32> to vector<1x1024xf32>
    %reduce_sum3A_46 = arith.constant dense<0.000000e+00> : vector<1024xf32>
    %reduce_sum3A_47 = vector.multi_reduction <add>, %select_n3A, %reduce_sum3A_46 [1] : vector<1024x1024xf32> to vector<1024xf32>
    %broadcast_in_dim3A_48 = vector.shape_cast %reduce_sum3A_47 : vector<1024xf32> to vector<1024x1xf32>
    %sub3A = arith.constant 1.023000e+03 : f32
    %sub3A_49 = vector.broadcast %sub3A : f32 to vector<1024x1xf32>
    %sub3A_50 = arith.subf %sub3A_49, %broadcast_in_dim3A_48 : vector<1024x1xf32>
    %iota3A_51 = tpu.iota {dimensions = array<i32: 0>} : vector<512x1024xi32>
    %convert_element_type3A = arith.sitofp %iota3A_51 : vector<512x1024xi32> to vector<512x1024xf32>
    %eq3A_52 = vector.broadcast %broadcast_in_dim3A_45 : vector<1x1024xf32> to vector<512x1024xf32>
    %eq3A_53 = arith.cmpf oeq, %eq3A_52, %convert_element_type3A : vector<512x1024xf32>
    %jit3A_54 = arith.constant 1.000000e+00 : f32
    %jit3A_55 = arith.constant 0.000000e+00 : f32
    %broadcast_in_dim3A_56 = vector.broadcast %jit3A_54 : f32 to vector<512x1024xf32>
    %broadcast_in_dim3A_57 = vector.broadcast %jit3A_55 : f32 to vector<512x1024xf32>
    %select_n3A_58 = arith.select %eq3A_53, %broadcast_in_dim3A_56, %broadcast_in_dim3A_57 : vector<512x1024xi1>, vector<512x1024xf32>
    %iota3A_59 = tpu.iota {dimensions = array<i32: 1>} : vector<1024x512xi32>
    %convert_element_type3A_60 = arith.sitofp %iota3A_59 : vector<1024x512xi32> to vector<1024x512xf32>
    %eq3A_61 = vector.broadcast %sub3A_50 : vector<1024x1xf32> to vector<1024x512xf32>
    %eq3A_62 = arith.cmpf oeq, %eq3A_61, %convert_element_type3A_60 : vector<1024x512xf32>
    %jit3A_63 = arith.constant 1.000000e+00 : f32
    %jit3A_64 = arith.constant 0.000000e+00 : f32
    %broadcast_in_dim3A_65 = vector.broadcast %jit3A_63 : f32 to vector<1024x512xf32>
    %broadcast_in_dim3A_66 = vector.broadcast %jit3A_64 : f32 to vector<1024x512xf32>
    %select_n3A_67 = arith.select %eq3A_62, %broadcast_in_dim3A_65, %broadcast_in_dim3A_66 : vector<1024x512xi1>, vector<1024x512xf32>
    %iota3A_68 = tpu.iota {dimensions = array<i32: 0>} : vector<1024x512xi32>
    %convert_element_type3A_69 = arith.sitofp %iota3A_68 : vector<1024x512xi32> to vector<1024x512xf32>
    %mul3A = arith.mulf %select_n3A_67, %convert_element_type3A_69 : vector<1024x512xf32>
    %reduce_sum3A_70 = arith.constant dense<0.000000e+00> : vector<512xf32>
    %reduce_sum3A_71 = vector.multi_reduction <add>, %mul3A, %reduce_sum3A_70 [0] : vector<1024x512xf32> to vector<512xf32>
    %broadcast_in_dim3A_72 = vector.shape_cast %reduce_sum3A_71 : vector<512xf32> to vector<1x512xf32>
    %convert_element_type3A_73 = arith.fptosi %broadcast_in_dim3A_72 : vector<1x512xf32> to vector<1x512xi32>
    %swap3A = arith.constant 0 : index
    %swap3A_74 = arith.constant 0 : index
    %swap3A_75 = arith.constant 0 : index
    %swap3A_76 = vector.load %arg11[%swap3A, %swap3A_74, %swap3A_75] : memref<1x1x512xi32, #tpu.memory_space<vmem>>, vector<1x1x512xi32>
    %swap3A_77 = vector.shape_cast %swap3A_76 : vector<1x1x512xi32> to vector<1x512xi32>
    %swap3A_78 = vector.shape_cast %convert_element_type3A_73 : vector<1x512xi32> to vector<1x1x512xi32>
    tpu.vector_store %arg11[%swap3A, %swap3A_74, %swap3A_75], %swap3A_78 {strides = array<i32>} : memref<1x1x512xi32, #tpu.memory_space<vmem>>, vector<1x1x512xi32>,
    %dot_general3A_79 = arith.constant dense<0.000000e+00> : vector<512x512xf32>
    %dot_general3A_80 = tpu.matmul %select_n3A_58, %get3A_3, %dot_general3A_79 {dimension_numbers = #tpu.dot_dimension_numbers<[1], [0], [0], [1], [0, 0, 1, 1], [], []>, transpose_lhs_hint = false} : vector<512x1024xf32>, vector<1024x512xf32>, vector<512x512xf32> -> vector<512x512xf32>
    %swap3A_81 = arith.constant 0 : index
    %swap3A_82 = arith.constant 0 : index
    %swap3A_83 = arith.constant 0 : index
    %swap3A_84 = vector.load %arg9[%swap3A_81, %swap3A_82, %swap3A_83] : memref<1x512x512xf32, #tpu.memory_space<vmem>>, vector<1x512x512xf32>
    %swap3A_85 = vector.shape_cast %swap3A_84 : vector<1x512x512xf32> to vector<512x512xf32>
    %swap3A_86 = vector.shape_cast %dot_general3A_80 : vector<512x512xf32> to vector<1x512x512xf32>
    tpu.vector_store %arg9[%swap3A_81, %swap3A_82, %swap3A_83], %swap3A_86 {strides = array<i32>} : memref<1x512x512xf32, #tpu.memory_space<vmem>>, vector<1x512x512xf32>,
    %get3A_87 = arith.constant 0 : index
    %get3A_88 = arith.constant 0 : index
    %get3A_89 = arith.constant 0 : index
    %get3A_90 = vector.load %arg2[%get3A_87, %get3A_88, %get3A_89] : memref<1x1024x1024xf32, #tpu.memory_space<vmem>>, vector<1x1024x1024xf32>
    %get3A_91 = vector.shape_cast %get3A_90 : vector<1x1024x1024xf32> to vector<1024x1024xf32>
    %dot_general3A_92 = arith.constant dense<0.000000e+00> : vector<1024x512xf32>
    %dot_general3A_93 = tpu.matmul %get3A_91, %select_n3A_67, %dot_general3A_92 {dimension_numbers = #tpu.dot_dimension_numbers<[1], [0], [0], [1], [0, 0, 1, 1], [], []>, transpose_lhs_hint = false} : vector<1024x1024xf32>, vector<1024x512xf32>, vector<1024x512xf32> -> vector<1024x512xf32>
    %dot_general3A_94 = arith.constant dense<0.000000e+00> : vector<512x512xf32>
    %dot_general3A_95 = tpu.matmul %select_n3A_58, %dot_general3A_93, %dot_general3A_94 {dimension_numbers = #tpu.dot_dimension_numbers<[1], [0], [0], [1], [0, 0, 1, 1], [], []>, transpose_lhs_hint = false} : vector<512x1024xf32>, vector<1024x512xf32>, vector<512x512xf32> -> vector<512x512xf32>
    %swap3A_96 = arith.constant 0 : index
    %swap3A_97 = arith.constant 0 : index
    %swap3A_98 = arith.constant 0 : index
    %swap3A_99 = vector.load %arg10[%swap3A_96, %swap3A_97, %swap3A_98] : memref<1x512x512xf32, #tpu.memory_space<vmem>>, vector<1x512x512xf32>
    %swap3A_100 = vector.shape_cast %swap3A_99 : vector<1x512x512xf32> to vector<512x512xf32>
    %swap3A_101 = vector.shape_cast %dot_general3A_95 : vector<512x512xf32> to vector<1x512x512xf32>
    tpu.vector_store %arg10[%swap3A_96, %swap3A_97, %swap3A_98], %swap3A_101 {strides = array<i32>} : memref<1x512x512xf32, #tpu.memory_space<vmem>>, vector<1x512x512xf32>,
    return
  }
  func.func @transform_0(%arg0: i32) -> (i32, i32, i32) {
    %c0_i32 = arith.constant 0 : i32
    %c0_i32_0 = arith.constant 0 : i32
    %c0_i32_1 = arith.constant 0 : i32
    return %arg0, %c0_i32, %c0_i32_0 : i32, i32, i32
  }
  func.func @transform_1(%arg0: i32) -> (i32, i32, i32) {
    %c0_i32 = arith.constant 0 : i32
    %c0_i32_0 = arith.constant 0 : i32
    %c0_i32_1 = arith.constant 0 : i32
    return %arg0, %c0_i32, %c0_i32_0 : i32, i32, i32
  }
  func.func @transform_2(%arg0: i32) -> (i32, i32) {
    %c0_i32 = arith.constant 0 : i32
    %c0_i32_0 = arith.constant 0 : i32
    %c0_i32_1 = arith.constant 0 : i32
    return %c0_i32, %c0_i32_0 : i32, i32
  }
  func.func @transform_3(%arg0: i32) -> (i32, i32) {
    %c0_i32 = arith.constant 0 : i32
    %c0_i32_0 = arith.constant 0 : i32
    %c0_i32_1 = arith.constant 0 : i32
    return %c0_i32, %c0_i32_0 : i32, i32
  }
  func.func @transform_4(%arg0: i32) -> (i32, i32) {
    %c0_i32 = arith.constant 0 : i32
    %c0_i32_0 = arith.constant 0 : i32
    %c0_i32_1 = arith.constant 0 : i32
    return %c0_i32, %c0_i32_0 : i32, i32
  }
  func.func @transform_5(%arg0: i32) -> (i32, i32) {
    %c0_i32 = arith.constant 0 : i32
    %c0_i32_0 = arith.constant 0 : i32
    %c0_i32_1 = arith.constant 0 : i32
    return %c0_i32, %c0_i32_0 : i32, i32
  }
  func.func @transform_6(%arg0: i32) -> (i32, i32) {
    %c0_i32 = arith.constant 0 : i32
    %c0_i32_0 = arith.constant 0 : i32
    %c0_i32_1 = arith.constant 0 : i32
    return %c0_i32, %c0_i32_0 : i32, i32
  }
  func.func @transform_7(%arg0: i32) -> (i32, i32) {
    %c0_i32 = arith.constant 0 : i32
    %c0_i32_0 = arith.constant 0 : i32
    %c0_i32_1 = arith.constant 0 : i32
    return %c0_i32, %c0_i32_0 : i32, i32
  }
  func.func @transform_8(%arg0: i32) -> (i32, i32, i32) {
    %c0_i32 = arith.constant 0 : i32
    %c0_i32_0 = arith.constant 0 : i32
    %c0_i32_1 = arith.constant 0 : i32
    return %arg0, %c0_i32, %c0_i32_0 : i32, i32, i32
  }
  func.func @transform_9(%arg0: i32) -> (i32, i32, i32) {
    %c0_i32 = arith.constant 0 : i32
    %c0_i32_0 = arith.constant 0 : i32
    %c0_i32_1 = arith.constant 0 : i32
    return %arg0, %c0_i32, %c0_i32_0 : i32, i32, i32
  }
  func.func @transform_10(%arg0: i32) -> (i32, i32, i32) {
    %c0_i32 = arith.constant 0 : i32
    %c0_i32_0 = arith.constant 0 : i32
    %c0_i32_1 = arith.constant 0 : i32
    return %arg0, %c0_i32, %c0_i32_0 : i32, i32, i32
  }
}

</mosaic_0001>

<sc_bundles>
// kernel: kernel.4.cloned.1.call-start
scs
__scs_entry_jumppad:
0x0: {  	(pc) =	sbr.rel $0x88, $3  }
0x1: {  	(tag) =	ssettag $0x0;
	lr =	simm.s32 $0x1  }
0x2: {  	[smem:$0x3F98] =	sst lr;
	_ =	strace $0xD0000000  }
0x3: {  	_ = 	snop  }
0x4: {  	_ = 	snop  }
0x5: {  	_ = 	snop  }
0x6: {  	_ = 	snop  }
0x7: {  	_ = 	snop  }
__scs_overlays_trampoline_lowered:
0x8: {  	[smem:$0x3FA7] =	sst s0  }
0x9: {  	[smem:$0x3FA8] =	sst s1  }
0xa: {  	[smem:$0x3FA9] =	sst s2  }
0xb: {  	[smem:$0x3FAA] =	sst s3  }
0xc: {  	[smem:$0x3FAB] =	sst s4  }
0xd: {  	[smem:$0x3FAC] =	sst s5  }
0xe: {  	[smem:$0x3FAD] =	sst s6  }
0xf: {  	[smem:$0x3FAE] =	sst s7  }
0x10: {  	[smem:$0x3FAF] =	sst s8  }
0x11: {  	[smem:$0x3FB0] =	sst s9;
	s0 =	simm.s32 @!p0 $0x0  }
0x12: {  	s1 =	sld [smem:$0x3F96];
	s0 =	simm.s32 @p0 $0x1  }
0x13: {  	[smem:$0x3FB1] =	sst s0;
	s0 =	simm.s32 @!p1 $0x0  }
0x14: {  	s2 =	sld [smem:$0x3F95];
	s0 =	simm.s32 @p1 $0x1  }
0x15: {  	[smem:$0x3FB2] =	sst s0;
	s0 =	simm.s32 @!p2 $0x0  }
0x16: {  	s3 =	sld [smem:$0x3FDB];
	s0 =	simm.s32 @p2 $0x1  }
0x17: {  	s4 =	simm.s32 $0x1BF5;
	[smem:$0x3FB4] =	sst s0  }
0x18: {  	s0 =	sld [smem:$0x3F97];
	_ =	swait.ge [sflag:s4], $0x0  }
0x19: {  	s7 =	sld [smem:$0x3F98]  }
0x1a: {  	s8 =	sadd.s32 $0xFFFFE003, lr  }
0x1b: {  	s9 =	sadd.s32 $0xFFFFFEF7, lr;
	s5 =	simm.s32 $0xFFFFFFFF;
	p2 =	slt.u32 s8, $0xFFFFF086  }
0x1c: {  	p1 =	slt.u32 s9, $0xF7A;
	s5 =	simm.s32 @!p2 $0x0  }
0x1d: {  	s5 =	simm.s32 @p1 $0x1;
	p0 =	seq.s32 s7, s2  }
0x1e: {  	s7 =	smul.u32 @!p0 $0xF7A, s2;
	p2 =	seq.s32 @!p0 s5, $0x0  }
0x1f: {  	s9 =	smul.u32 $0xF7A, s1;
	s8 =	simm.s32 @!p0 $0x1BF5;
	p2 =	por !p2, p0  }
0x20: {  	[sflag:s8] =	ssyncset.s32 @!p0 $0xFFFFF086;
	s6 =	sadd.s32 @!p0 s3, s7;
	s7 =	simm.s32 @!p0 $0x108  }
0x21: {  	s3 =	sadd.s32 s3, s9;
	s6 =	sadd.s32 @!p0 $0x88, s6;
	s7 =	simm.s32 @p2 $0x1082  }
0x22: {  	[simem:s7], [sflag:s8] =	dma.local @!p0 [hbm:s6], $0xF7A  }
0x23: {  	s9 =	sor.u32 $0xD0000000, s2;
	s6 =	simm.s32 $0x108;
	_ =	swait.ge @!p0 [sflag:s8], $0x0  }
0x24: {  	s3 =	sadd.s32 $0x88, s3;
	s6 =	simm.s32 @!p1 $0x1082;
	[sflag:s4] =	ssyncset.s32 $0xFFFFF086  }
0x25: {  	[simem:s6], [sflag:s4] =	dma.local [hbm:s3], $0xF7A  }
0x26: {  	[smem:$0x3F98] =	sst s1;
	(tag) =	ssettag s2;
	_ =	strace s9  }
0x27: {  	s1 =	sld [smem:$0x3FA8]  }
0x28: {  	s2 =	sld [smem:$0x3FA9]  }
0x29: {  	s4 =	sld [smem:$0x3FAB]  }
0x2a: {  	p0 =	seq.s32 s5, $0x0;
	s5 =	sld [smem:$0x3FAC]  }
0x2b: {  	s6 =	sld [smem:$0x3FAD]  }
0x2c: {  	s7 =	sld [smem:$0x3FAE]  }
0x2d: {  	s3 =	simm.s32 $0x108;
	s8 =	sld [smem:$0x3FAF]  }
0x2e: {  	s3 =	simm.s32 @!p0 $0x1082;
	s9 =	sld [smem:$0x3FB0]  }
0x2f: {  	lr =	sadd.s32 s0, s3;
	s0 =	sld [smem:$0x3FA7]  }
0x30: {  	s3 =	sld [smem:$0x3FAA]  }
0x31: {  	[smem:$0x3FB3] =	sst s10  }
0x32: {  	s10 =	sld [smem:$0x3FB1];
	_ =	sdelay $0x3  }
0x33: {  	p0 =	seq.s32 s10, $0x1;
	s10 =	sld [smem:$0x3FB3];
	_ =	sdelay $0x3  }
0x34: {  	[smem:$0x3FB3] =	sst s10  }
0x35: {  	s10 =	sld [smem:$0x3FB2];
	_ =	sdelay $0x3  }
0x36: {  	p1 =	seq.s32 s10, $0x1;
	s10 =	sld [smem:$0x3FB3];
	_ =	sdelay $0x3  }
0x37: {  	[smem:$0x3FB3] =	sst s10  }
0x38: {  	s10 =	sld [smem:$0x3FB4]  }
0x39: {  	_ = 	snop;
	(pc) =	sbr.ind lr, $3  }
0x3a: {  	_ = 	snop  }
0x3b: {  	_ = 	snop  }
0x3c: {  	p2 =	seq.s32 s10, $0x1;
	s10 =	sld [smem:$0x3FB3]  }
0x3d: {  	_ =	shalt  }
0x3e: {  	_ =	shalt  }
0x3f: {  	_ =	shalt  }
0x40: {  	_ =	shalt  }
0x41: {  	_ =	shalt  }
0x42: {  	_ =	shalt  }
0x43: {  	_ =	shalt  }
0x44: {  	_ =	shalt  }
0x45: {  	_ =	shalt  }
0x46: {  	_ =	shalt  }
0x47: {  	_ =	shalt  }
0x48: {  	_ =	shalt  }
0x49: {  	_ =	shalt  }
0x4a: {  	_ =	shalt  }
0x4b: {  	_ =	shalt  }
0x4c: {  	_ =	shalt  }
0x4d: {  	_ =	shalt  }
0x4e: {  	_ =	shalt  }
0x4f: {  	_ =	shalt  }
0x50: {  	_ =	shalt  }
0x51: {  	_ =	shalt  }
0x52: {  	_ =	shalt  }
0x53: {  	_ =	shalt  }
0x54: {  	_ =	shalt  }
0x55: {  	_ =	shalt  }
0x56: {  	_ =	shalt  }
0x57: {  	_ =	shalt  }
0x58: {  	_ =	shalt  }
0x59: {  	_ =	shalt  }
0x5a: {  	_ =	shalt  }
0x5b: {  	_ =	shalt  }
0x5c: {  	_ =	shalt  }
0x5d: {  	_ =	shalt  }
0x5e: {  	_ =	shalt  }
0x5f: {  	_ =	shalt  }
0x60: {  	_ =	shalt  }
0x61: {  	_ =	shalt  }
0x62: {  	_ =	shalt  }
0x63: {  	_ =	shalt  }
0x64: {  	_ =	shalt  }
0x65: {  	_ =	shalt  }
0x66: {  	_ =	shalt  }
0x67: {  	_ =	shalt  }
0x68: {  	_ =	shalt  }
0x69: {  	_ =	shalt  }
0x6a: {  	_ =	shalt  }
0x6b: {  	_ =	shalt  }
0x6c: {  	_ =	shalt  }
0x6d: {  	_ =	shalt  }
0x6e: {  	_ =	shalt  }
0x6f: {  	_ =	shalt  }
0x70: {  	_ =	shalt  }
0x71: {  	_ =	shalt  }
0x72: {  	_ =	shalt  }
0x73: {  	_ =	shalt  }
0x74: {  	_ =	shalt  }
0x75: {  	_ =	shalt  }
0x76: {  	_ =	shalt  }
0x77: {  	_ =	shalt  }
0x78: {  	_ =	shalt  }
0x79: {  	_ =	shalt  }
0x7a: {  	_ =	shalt  }
0x7b: {  	_ =	shalt  }
0x7c: {  	_ =	shalt  }
0x7d: {  	_ =	shalt  }
0x7e: {  	_ =	shalt  }
0x7f: {  	_ =	shalt  }
0x80: {  	_ =	shalt  }
0x81: {  	_ =	shalt  }
0x82: {  	_ =	shalt  }
0x83: {  	_ =	shalt  }
0x84: {  	_ =	shalt  }
0x85: {  	_ =	shalt  }
0x86: {  	_ =	shalt  }
0x87: {  	_ =	shalt  }
.Lfunc_end0:
.L_simem_size_0:
called_computation_lowered:
.L_overlay_start_0:
0x88: {  	s2 =	sld [smem:$0x3FD9]  }
0x89: {  	s3 =	sld [smem:$0x3FFE];
	_ =	sdelay $0x1  }
0x8a: {  	s1 =	srdreg.scid  }
0x8b: {  	s0 =	sand.u32 $0x1, s1  }
0x8c: {  	s14 =	sshll.u32 s0, $0xA;
	s2 =	sadd.s32 s3, s2  }
0x8d: {  	s2 =	sadd.s32 s2, s14  }
0x8e: {  	[smem:$0x3FBF] =	sst s2  }
0x8f: {  	_ = 	snop  }
0x90: {  	s2 =	sld [smem:$0x3FD0];
	_ =	sdelay $0x2  }
0x91: {  	s4 =	simm.s32 $0xA;
	s5 =	simm.s32 $0x10;
	s15 =	sld [smem:$0x3FC7]  }
0x92: {  	[smem:s5], [sflag:s4] =	dma.local [hbm:s2], $0x1  }
0x93: {  	_ =	swait.eq [sflag:s4], $0x1  }
0x94: {  	[sflag:s4] =	ssyncset.done $0x0  }
0x95: {  	[sflag:s4] =	ssyncadd.s32 $0xFFFFFFFF  }
0x96: {  	s16 =	sld [smem:$0x12];
	(tm) =	ssettm $0x1  }
0x97: {  	s17 =	sld [smem:$0x3FFB];
	_ =	sdelay $0x3  }
0x98: {  	_ =	strace s17  }
0x99: {  	s4 =	sld [smem:$0x3FFC];
	_ =	sdelay $0x3  }
0x9a: {  	_ =	strace s4  }
0x9b: {  	s4 =	sld [smem:$0x3FFD];
	_ =	sdelay $0x3  }
0x9c: {  	_ =	strace s4  }
0x9d: {  	_ =	strace $0x8FFFFFFF  }
0x9e: {  	s18 =	sld [smem:$0x3FDB];
	_ =	sdelay $0x1  }
0x9f: {  	s19 =	simm.s32 $_scs_section_size  }
0xa0: {  	s6 =	simm.s32 $_size__tile_overlayer_lowered;
	s7 =	simm.s32 $_tile_overlayer_lowered  }
0xa1: {  	s22 =	simm.s32 $0x1BFF;
	s21 =	sshll.u32 s7, $0x1;
	s4 =	sadd.s32 s19, s18  }
0xa2: {  	s8 =	simm.s32 $0x0;
	s20 =	sshll.u32 s6, $0x1;
	s6 =	sadd.s32 s21, s4  }
0xa3: {  	[timem:s8], [sflag:s22] =	dma.local [hbm:s6], s20  }
0xa4: {  	_ =	swait.ge [sflag:s22], s20  }
0xa5: {  	s5 =	ssub.s32 $0x0, s20;
	[sflag:s22] =	ssyncset.done $0x0  }
0xa6: {  	[sflag:s22] =	ssyncadd.s32 s5;
	_ =	sdelay $0x1  }
0xa7: {  	s23 =	simm.s32 $0x1B8B  }
0xa8: {  	_ =	swait.ge [sflag:s23], $0x1  }
0xa9: {  	[sflag:s23] =	ssyncset.done $0x0  }
0xaa: {  	s25 =	simm.s32 $0x1B8E;
	s24 =	sld [smem:$0x3FFE];
	[sflag:s23] =	ssyncadd.s32 $0xFFFFFFFF  }
0xab: {  	s26 =	simm.s32 $execute0_lowered;
	[smem:$0x3FD2] =	sst s25  }
0xac: {  	s6 =	sshll.u32 s26, $0x1;
	_ =	strace $0x80000046;
	[dreg:$0x1] =	wrdreg $0xFFFFFFFF  }
0xad: {  	s28 =	simm.s32 $_size_execute0_lowered;
	s4 =	sadd.s32 s4, s6;
	[dreg:$0x0] =	wrdreg $0x0  }
0xae: {  	s6 =	sshll.u32 s28, $0x1;
	[dreg:$0x2] =	wrdreg s4  }
0xaf: {  	[dreg:$0x3] =	wrdreg s6  }
0xb0: {  	[dreg:$0x4] =	wrdreg $0xC0  }
0xb1: {  	_ =	task [dreg:s8], $0x5FFFF  }
0xb2: {  	[dreg:$0x1] =	wrdreg $0xFFFFFFFF  }
0xb3: {  	[dreg:$0x0] =	wrdreg $0x60  }
0xb4: {  	[dreg:$0x2] =	wrdreg s24  }
0xb5: {  	[dreg:$0x3] =	wrdreg s15  }
0xb6: {  	[dreg:$0x4] =	wrdreg s16  }
0xb7: {  	[dreg:$0x5] =	wrdreg $0x9  }
0xb8: {  	_ =	task.clear_ibuf [dreg:s8], $0x6FFFF;
	_ =	strace $0x90000046  }
0xb9: {  	s29 =	simm.s32 $0x9;
	_ =	strace $0x80000048  }
0xba: {  	_ =	swait.ge [sflag:s29], $0x1  }
0xbb: {  	[sflag:s29] =	ssyncadd.s32 $0xFFFFFFFF  }
0xbc: {  	_ =	strace $0x90000048  }
0xbd: {  	_ =	sfence  }
0xbe: {  	s30 =	sld [smem:$0x0];
	_ =	sdelay $0x2  }
0xbf: {  	s31 =	sshll.u32 s1, $0xD;
	s1 =	sshrl.u32 s1, $0x2  }
0xc0: {  	s3 =	sand.u32 $0x4000, s31;
	s1 =	sadd.s32 s1, s30  }
0xc1: {  	s0 =	sor.u32 s3, s0;
	s1 =	sshll.u32 s1, $0x11  }
0xc2: {  	s0 =	sor.u32 s1, s0  }
0xc3: {  	s0 =	sadd.s32 $0x8F2B, s0  }
0xc4: {  	[sflag:s0] =	ssyncadd.remote.s32 $0x1  }
0xc5: {  	_ =	sfence.sel $0xFFFF  }
0xc6: {  	[dreg:$0x0] =	wrdreg $0xFFFFFFFF;
	(pc) =	sbr.abs _section_cstart, $3  }
0xc7: {  	[dreg:$0x1] =	wrdreg $0xFFFFFFFF  }
0xc8: {  	_ =	task.clear_ibuf [dreg:s8], $0x2FFFF;
	_ =	strace $0x9FFFFFFF  }
0xc9: {  	(tm) =	ssettm $0x7FFFFFFF  }
tec
execute0_lowered:
.L_overlay_start_1:
0x0: {  	(tag) =	ssettag $0x1  }
0x1: {  	s3 =	rddreg [dreg:$0x0]  }
0x2: {  	s5 =	rddreg [dreg:$0x1]  }
0x3: {  	s4 =	rddreg [dreg:$0x2]  }
0x4: {  	s0 =	rddreg [dreg:$0x3];
	s1 =	simm.s32 $0x0  }
0x5: {  	s2 =	srdreg.scid;
	s12 =	simm.s32 $0x1;
	[smem:$0x7FF] =	sst s1  }
0x6: {  	s6 =	sand.u32 $0x1, s2;
	s2 =	stileid.u32;
	_ =	strace $0x80000047  }
0x7: {  	s7 =	ssub.s32 $0x2, s6;
	s8 =	sshll.u32 s6, $0x3;
	s10 =	sshll.u32 s2, $0x1  }
0x8: {  	s29 =	sshrl.u32 s2, $0x2;
	s30 =	sshll.u32 s2, $0x6;
	s9 =	sshrl.u32 s7, $0x1  }
0x9: {  	s3 =	sadd.s32 s8, s3;
	s28 =	sand.u32 $0x6, s10;
	s31 =	sshll.u32 s29, $0x4  }
0xa: {  	s11 =	sshll.u32 s29, $0x12;
	s8 =	sshll.u32 s29, $0x13;
	s10 =	simm.s32 $0x2  }
0xb: {  	s9 =	ssub.s32 s7, s9;
	s6 =	sor.u32 s6, s28;
	s7 =	sand.u32 $0xC0, s30  }
0xc: {  	s3 =	sadd.s32 s31, s3;
	s5 =	sadd.s32 s5, s8;
	s6 =	sshll.u32 s6, $0xF  }
0xd: {  	s7 =	sadd.s32 s7, s3;
	s9 =	smax.u32 s9, $0x1;
	s6 =	sor.u32 s11, s6  }
0xe: {  	s11 =	simm.s32 $0x80;
	s3 =	sadd.s32 s4, s6;
	s4 =	sadd.s32 $0xC00, s7  }
0xf: {  	v0 =	vlaneseq.u32;
	vm0 =	vmmov $0xffff;
	s6 =	sadd.s32 $0x2000, s3;
	s7 =	sadd.s32 $0x4000, s3;
	s8 =	sadd.s32 $0x6000, s3  }
.LBB2_1:
0x10: {  	[tilespmem:s1], [sflag:$0x2] =	stream.linear.gather [hbm4b:s4+s1], $0x40, $0x38;
	[tilespmem:$0x10080] =	vst v63  }
0x11: {  	_ =	swait.ge [sflag:s10], $0x40  }
0x12: {  	[sflag:s10] =	ssyncset.done $0x0  }
0x13: {  	[sflag:s10] =	ssyncadd.s32 $0xFFFFFFC0  }
0x14: {  	v1 =	vld [tilespmem:$0x0];
	_ =	sdelay $0x4  }
0x15: {  	v1 =	vshll.u32 v1, $0xC  }
0x16: {  	v1 =	vperm.xlane v1, v0;
	_ =	sdelay $0x5  }
0x17: {  	[tilespmem:s11], [sflag:$0x1] =	stream.indirect_vreg.gather [hbm4b:s5+s1], $0x1000, v1, vm0, $0x38;
	[tilespmem:$0x10080] =	vst v63  }
0x18: {  	_ =	swait.ge [sflag:s12], $0x10000  }
0x19: {  	[sflag:s12] =	ssyncset.done $0x0  }
0x1a: {  	[sflag:s12] =	ssyncadd.s32 $0xFFFF0000  }
0x1b: {  	[hbm4b:s3+s1] =	stream.linear.scatter [tilespmem:s11], [sflag:$0x2], $0x10000, $0x38;
	[tilespmem:$0x10080] =	vst v63  }
0x1c: {  	_ =	swait.ge [sflag:s10], $0x10000  }
0x1d: {  	[sflag:s10] =	ssyncset.done $0x0  }
0x1e: {  	[sflag:s10] =	ssyncadd.s32 $0xFFFF0000  }
0x1f: {  	v1 =	vld [tilespmem:$0x10];
	_ =	sdelay $0x4  }
0x20: {  	v1 =	vshll.u32 v1, $0xC  }
0x21: {  	v1 =	vperm.xlane v1, v0;
	_ =	sdelay $0x5  }
0x22: {  	[tilespmem:s11], [sflag:$0x1] =	stream.indirect_vreg.gather [hbm4b:s5+s1], $0x1000, v1, vm0, $0x38;
	[tilespmem:$0x10080] =	vst v63  }
0x23: {  	_ =	swait.ge [sflag:s12], $0x10000  }
0x24: {  	[sflag:s12] =	ssyncset.done $0x0  }
0x25: {  	[sflag:s12] =	ssyncadd.s32 $0xFFFF0000  }
0x26: {  	[hbm4b:s6+s1] =	stream.linear.scatter [tilespmem:s11], [sflag:$0x2], $0x10000, $0x38;
	[tilespmem:$0x10080] =	vst v63  }
0x27: {  	_ =	swait.ge [sflag:s10], $0x10000  }
0x28: {  	[sflag:s10] =	ssyncset.done $0x0  }
0x29: {  	[sflag:s10] =	ssyncadd.s32 $0xFFFF0000  }
0x2a: {  	v1 =	vld [tilespmem:$0x20];
	_ =	sdelay $0x4  }
0x2b: {  	v1 =	vshll.u32 v1, $0xC  }
0x2c: {  	v1 =	vperm.xlane v1, v0;
	_ =	sdelay $0x5  }
0x2d: {  	[tilespmem:s11], [sflag:$0x1] =	stream.indirect_vreg.gather [hbm4b:s5+s1], $0x1000, v1, vm0, $0x38;
	[tilespmem:$0x10080] =	vst v63  }
0x2e: {  	_ =	swait.ge [sflag:s12], $0x10000  }
0x2f: {  	[sflag:s12] =	ssyncset.done $0x0  }
0x30: {  	[sflag:s12] =	ssyncadd.s32 $0xFFFF0000  }
0x31: {  	[hbm4b:s7+s1] =	stream.linear.scatter [tilespmem:s11], [sflag:$0x2], $0x10000, $0x38;
	[tilespmem:$0x10080] =	vst v63  }
0x32: {  	_ =	swait.ge [sflag:s10], $0x10000  }
0x33: {  	[sflag:s10] =	ssyncset.done $0x0  }
0x34: {  	[sflag:s10] =	ssyncadd.s32 $0xFFFF0000  }
0x35: {  	v1 =	vld [tilespmem:$0x30];
	_ =	sdelay $0x4  }
0x36: {  	v1 =	vshll.u32 v1, $0xC  }
0x37: {  	v1 =	vperm.xlane v1, v0;
	_ =	sdelay $0x5  }
0x38: {  	[tilespmem:s11], [sflag:$0x1] =	stream.indirect_vreg.gather [hbm4b:s5+s1], $0x1000, v1, vm0, $0x38;
	[tilespmem:$0x10080] =	vst v63  }
0x39: {  	_ =	swait.ge [sflag:s12], $0x10000  }
0x3a: {  	p0 =	sne.s32 s9, $0x1;
	[sflag:s12] =	ssyncset.done $0x0  }
.Ltmp0:
0x3b: {  	[sflag:s12] =	ssyncadd.s32 $0xFFFF0000;
	(pc) =	sbr.rel @p0 .LBB2_1-.Ltmp0, $4  }
0x3c: {  	[hbm4b:s8+s1] =	stream.linear.scatter [tilespmem:s11], [sflag:$0x2], $0x10000, $0x38;
	[tilespmem:$0x10080] =	vst v63  }
0x3d: {  	_ =	swait.ge [sflag:s10], $0x10000  }
0x3e: {  	[sflag:s10] =	ssyncset.done $0x0  }
0x3f: {  	s9 =	sadd.s32 $0xFFFFFFFF, s9;
	[sflag:s10] =	ssyncadd.s32 $0xFFFF0000  }
0x40: {  	_ =	sfence.sel $0x180000  }
0x41: {  	[bflag:$0x0] =	sbarrier.arrive $0xFFFF  }
0x42: {  	p0 =	sne.s32 s2, $0x0;
	_ =	strace $0x90000047  }
0x43: {  	s0 =	sadd.s32 @!p0 $0x100000, s0;
	[bflag:$0x2] =	sbarrier.arrive $0xFFFF  }
0x44: {  	[sflag:s0] =	ssyncadd.tile.s32 @!p0 $0x1;
	_ =	shalt  }
.Lfunc_end2:
_tile_overlayer_lowered:
.L_overlay_start_2:
0x45: {  	(tag) =	ssettag $0x2  }
0x46: {  	s0 =	rddreg [dreg:$0x0];
	s2 =	stileid.u32  }
0x47: {  	s1 =	rddreg [dreg:$0x1];
	p0 =	sne.s32 s2, $0x0  }
0x48: {  	s3 =	rddreg [dreg:$0x2];
	[bflag:$0x3] =	sbarrier.arrive $0xFFFF;
	s2 =	simm.s32 @!p0 $0x1C02  }
0x49: {  	[timem:s3], [sflag:s2] =	dma.local @!p0 [hbm:s0], s1  }
0x4a: {  	s0 =	simm.s32 @!p0 $0x2  }
0x4b: {  	_ =	swait.ge @!p0 [sflag:s0], s1  }
0x4c: {  	s1 =	ssub.s32 @!p0 $0x0, s1;
	[sflag:s0] =	ssyncset.done @!p0 $0x0  }
0x4d: {  	[sflag:s0] =	ssyncadd.s32 @!p0 s1  }
0x4e: {  	[bflag:$0x3] =	sbarrier.arrive $0xFFFF  }
0x4f: {  	_ =	shalt  }

</sc_bundles>
